<compile_context>
chip_gen: v7x
topology: tpu7x:2x2x1
jax: 0.10.2.dev20260603
libtpu: 0.0.44.dev20260713+nightly
codegen_flags: <defaults>
</compile_context>

<pallas_src>
import functools

import jax
import jax.numpy as jnp
from jax import lax
from jax.experimental import pallas as pl
from jax.experimental.pallas import tpu as pltpu
from jax.experimental.pallas import tpu_sc as plsc

_LANES = 16
_NWORKERS = 16


def _mlp_body(emb_ref, w1_ref, b1_ref, w2t_ref, b2_ref, out_ref):
    h = jnp.dot(emb_ref[...], w1_ref[...], preferred_element_type=jnp.float32)
    h = h + b1_ref[...]
    h = h * jax.nn.sigmoid(h)
    tab = lax.dot_general(w2t_ref[...], h, (((1,), (1,)), ((), ())),
                          preferred_element_type=jnp.float32)
    out_ref[...] = tab + b2_ref[0, 0]


def _vocab_mlp(emb_table, W1, b1, W2, b2):
    vocab = emb_table.shape[0]
    tab2 = pl.pallas_call(
        _mlp_body,
        out_shape=jax.ShapeDtypeStruct((1, vocab), jnp.float32),
    )(emb_table, W1, b1.reshape(1, -1), W2.reshape(1, -1), b2.reshape(1, 1))
    return tab2.reshape(vocab)


def _gather_loop(tab_v, idx_v, val_v, count, unroll):

    def body(i, carry):
        s = i * (_LANES * unroll)
        for u in range(unroll):
            o = s + u * _LANES
            idx = idx_v[pl.ds(o, _LANES)]
            val_v[pl.ds(o, _LANES)] = plsc.load_gather(tab_v, [idx])
        return carry

    lax.fori_loop(0, count // unroll, body, 0)


def _make_sc_gather(n, vocab):
    chunk = -(-n // _NWORKERS)
    chunk = -(-chunk // (4 * _LANES)) * (4 * _LANES)
    assert chunk <= n and chunk % (4 * _LANES) == 0
    assert (n - chunk) % _LANES == 0

    mesh = plsc.VectorSubcoreMesh(core_axis_name="c", subcore_axis_name="s", num_cores=1)

    @functools.partial(
        pl.kernel,
        out_type=jax.ShapeDtypeStruct((n,), jnp.float32),
        mesh=mesh,
        scratch_types=[
            pltpu.VMEM((chunk,), jnp.int32),
            pltpu.VMEM((chunk,), jnp.float32),
            pltpu.VMEM((vocab,), jnp.float32),
            pltpu.SemaphoreType.DMA,
        ],
        compiler_params=pltpu.CompilerParams(needs_layout_passes=False),
    )
    def sc_gather(z_hbm, tab_hbm, out_hbm, idx_v, val_v, tab_v, sem):
        wid = lax.axis_index("s")
        base = jnp.minimum(wid * chunk, n - chunk)
        cp = pltpu.async_copy(z_hbm.at[pl.ds(base, chunk)], idx_v, sem)
        pltpu.sync_copy(tab_hbm, tab_v)
        cp.wait()
        _gather_loop(tab_v, idx_v, val_v, chunk // _LANES, 4)
        pltpu.sync_copy(val_v, out_hbm.at[pl.ds(base, chunk)])

    return sc_gather


def kernel(z, batch, pos, emb_table, W1, b1, W2, b2):
    n = z.shape[0]
    vocab = emb_table.shape[0]
    tab = _vocab_mlp(emb_table, W1, b1, W2, b2)
    outp = _make_sc_gather(n, vocab)(z.astype(jnp.int32), tab)
    return outp.reshape(n, 1)

# --- scband reference (transcript-rebuilt; emitter-appended) ---
"""Pipeline reference for scband-exchange-11055245820589 (READ-ONLY COPY).

The authoritative reference and input builder live on the scoring server;
editing this copy changes nothing except your own understanding.
"""

import jax, jax.numpy as jnp
import numpy as np

N = 100000
VOCAB = 100
L0DIM = 128
HID = 64

def setup_inputs(seed: int = 0) -> dict:
    key = jax.random.key(seed)
    k1, k2, k3, k4, k5, k6, k7 = jax.random.split(key, 7)
    z = jax.random.randint(k1, (N,), 0, VOCAB, dtype=jnp.int64) if jax.config.jax_enable_x64 else jax.random.randint(k1, (N,), 0, VOCAB, dtype=jnp.int32)
    batch = jnp.sort(jax.random.randint(k2, (N,), 0, 64, dtype=jnp.int32))
    pos = jax.random.normal(k3, (N, 3), dtype=jnp.float32)
    emb_table = jax.random.normal(k4, (VOCAB, L0DIM), dtype=jnp.float32)
    W1 = jax.random.normal(k5, (L0DIM, HID), dtype=jnp.float32) * (1.0 / np.sqrt(L0DIM))
    b1 = jnp.zeros((HID,), dtype=jnp.float32)
    W2 = jax.random.normal(k6, (HID, 1), dtype=jnp.float32) * (1.0 / np.sqrt(HID))
    b2 = jnp.zeros((1,), dtype=jnp.float32)
    return {"z": z, "batch": batch, "pos": pos, "emb_table": emb_table, "W1": W1, "b1": b1, "W2": W2, "b2": b2}

def reference(z, batch, pos, emb_table, W1, b1, W2, b2):
    # nodes = self.embedding(z)  -> gather from embedding table
    nodes = jnp.take(emb_table, z, axis=0)
    # radius_graph(pos, r=8.0, batch=batch) in the original forward is dead code:
    # its result is never assigned or used, so it has no effect on the output.
    # x.squeeze(-1) in torch is a no-op when the last dim is not size 1 (l0dim=128).
    x = nodes
    # self.mlp: Linear(l0dim, 64) -> SiLU -> Linear(64, 1)
    h = x @ W1 + b1
    h = h * jax.nn.sigmoid(h)  # SiLU
    out = h @ W2 + b2
    return out

if __name__ == "__main__":
    import jax
    _d = setup_inputs()
    print(jax.jit(kernel)(*tuple(_d.values())))

</pallas_src>

<mosaic_0001>
#map = affine_map<(d0, d1) -> (0)>
module attributes {stable_mosaic.version = 14 : i64} {
  func.func @sc_gather(%arg0: i32, %arg1: i32, %arg2: memref<100000xi32, #tpu.memory_space<hbm>>, %arg3: memref<100xf32, #tpu.memory_space<hbm>>, %arg4: memref<100000xf32, #tpu.memory_space<hbm>>, %arg5: memref<6272xi32, #tpu.memory_space<vmem>>, %arg6: memref<6272xf32, #tpu.memory_space<vmem>>, %arg7: memref<100xf32, #tpu.memory_space<vmem>>, %arg8: memref<!tpu.dma_semaphore, #tpu.memory_space<semaphore_mem>>) attributes {dimension_semantics = [#tpu.dimension_semantics<core_parallel>, #tpu.dimension_semantics<subcore_parallel>], iteration_bounds = array<i64: 1, 16>, scalar_prefetch = 0 : i64, scratch_operands = 4 : i64, tpu.core_type = #tpu.core_type<sc_vector_subcore>, window_params = [{transform_indices = #map}, {transform_indices = #map}, {transform_indices = #map}]} {
    %mul3A = arith.constant 6272 : i32
    %mul3A_0 = arith.muli %arg1, %mul3A : i32
    %min3A = arith.constant 93728 : i32
    %min3A_1 = arith.minsi %mul3A_0, %min3A : i32
    %dma_start3A = tpu.memref_slice %arg2[%min3A_1] : memref<100000xi32, #tpu.memory_space<hbm>> -> memref<6272xi32, #tpu.memory_space<hbm>>
    %dma_start3A_2 = tpu.memref_slice %arg2[%min3A_1] : memref<100000xi32, #tpu.memory_space<hbm>> -> memref<6272xi32, #tpu.memory_space<hbm>>
    tpu.enqueue_dma source(%dma_start3A_2 : memref<6272xi32, #tpu.memory_space<hbm>>) target(%arg5 : memref<6272xi32, #tpu.memory_space<vmem>>) target_semaphore(%arg8 : memref<!tpu.dma_semaphore, #tpu.memory_space<semaphore_mem>>)
    "tpu.region"() ({
      %run_scoped3A = tpu.sem_alloc : memref<!tpu.dma_semaphore, #tpu.memory_space<semaphore_mem>>
      tpu.enqueue_dma source(%arg3 : memref<100xf32, #tpu.memory_space<hbm>>) target(%arg7 : memref<100xf32, #tpu.memory_space<vmem>>) target_semaphore(%run_scoped3A : memref<!tpu.dma_semaphore, #tpu.memory_space<semaphore_mem>>)
      tpu.wait_dma2 semaphore(%run_scoped3A : memref<!tpu.dma_semaphore, #tpu.memory_space<semaphore_mem>>) src(%arg3 : memref<100xf32, #tpu.memory_space<hbm>>) dst(%arg7 : memref<100xf32, #tpu.memory_space<vmem>>)
      tpu.yield
    }) : () -> ()
    %dma_wait3A = tpu.memref_slice %arg2[%min3A_1] : memref<100000xi32, #tpu.memory_space<hbm>> -> memref<6272xi32, #tpu.memory_space<hbm>>
    %dma_wait3A_3 = tpu.memref_slice %arg2[%min3A_1] : memref<100000xi32, #tpu.memory_space<hbm>> -> memref<6272xi32, #tpu.memory_space<hbm>>
    tpu.wait_dma2 semaphore(%arg8 : memref<!tpu.dma_semaphore, #tpu.memory_space<semaphore_mem>>) src(%dma_wait3A_3 : memref<6272xi32, #tpu.memory_space<hbm>>) dst(%arg5 : memref<6272xi32, #tpu.memory_space<vmem>>)
    %scan3A = arith.constant 0 : i32
    %scan3A_4 = arith.constant 0 : i32
    %scan3A_5 = arith.constant 98 : i32
    %scan3A_6 = arith.addi %scan3A_4, %scan3A_5 : i32
    %scan3A_7 = arith.constant 1 : i32
    scf.for %scan3A_9 = %scan3A_4 to %scan3A_6 step %scan3A_7  : i32 {
      %mul3A_10 = arith.constant 64 : i32
      %mul3A_11 = arith.muli %scan3A_9, %mul3A_10 : i32
      %add3A = arith.constant 0 : i32
      %add3A_12 = arith.addi %mul3A_11, %add3A : i32
      %get3A = arith.index_cast %add3A_12 : i32 to index
      %get3A_13 = tpu.vector_load %arg5[%get3A] {strides = array<i32>} : memref<6272xi32, #tpu.memory_space<vmem>>, vector<16xi32>,
      %gather3A = tpu.vector_load_idx %arg7[%get3A_13] : memref<100xf32, #tpu.memory_space<vmem>>[vector<16xi32>], vector<16xf32>,
      %swap3A = arith.index_cast %add3A_12 : i32 to index
      %swap3A_14 = tpu.vector_load %arg6[%swap3A] {strides = array<i32>} : memref<6272xf32, #tpu.memory_space<vmem>>, vector<16xf32>,
      tpu.vector_store %arg6[%swap3A], %gather3A {strides = array<i32>} : memref<6272xf32, #tpu.memory_space<vmem>>, vector<16xf32>,
      %add3A_15 = arith.constant 16 : i32
      %add3A_16 = arith.addi %mul3A_11, %add3A_15 : i32
      %get3A_17 = arith.index_cast %add3A_16 : i32 to index
      %get3A_18 = tpu.vector_load %arg5[%get3A_17] {strides = array<i32>} : memref<6272xi32, #tpu.memory_space<vmem>>, vector<16xi32>,
      %gather3A_19 = tpu.vector_load_idx %arg7[%get3A_18] : memref<100xf32, #tpu.memory_space<vmem>>[vector<16xi32>], vector<16xf32>,
      %swap3A_20 = arith.index_cast %add3A_16 : i32 to index
      %swap3A_21 = tpu.vector_load %arg6[%swap3A_20] {strides = array<i32>} : memref<6272xf32, #tpu.memory_space<vmem>>, vector<16xf32>,
      tpu.vector_store %arg6[%swap3A_20], %gather3A_19 {strides = array<i32>} : memref<6272xf32, #tpu.memory_space<vmem>>, vector<16xf32>,
      %add3A_22 = arith.constant 32 : i32
      %add3A_23 = arith.addi %mul3A_11, %add3A_22 : i32
      %get3A_24 = arith.index_cast %add3A_23 : i32 to index
      %get3A_25 = tpu.vector_load %arg5[%get3A_24] {strides = array<i32>} : memref<6272xi32, #tpu.memory_space<vmem>>, vector<16xi32>,
      %gather3A_26 = tpu.vector_load_idx %arg7[%get3A_25] : memref<100xf32, #tpu.memory_space<vmem>>[vector<16xi32>], vector<16xf32>,
      %swap3A_27 = arith.index_cast %add3A_23 : i32 to index
      %swap3A_28 = tpu.vector_load %arg6[%swap3A_27] {strides = array<i32>} : memref<6272xf32, #tpu.memory_space<vmem>>, vector<16xf32>,
      tpu.vector_store %arg6[%swap3A_27], %gather3A_26 {strides = array<i32>} : memref<6272xf32, #tpu.memory_space<vmem>>, vector<16xf32>,
      %add3A_29 = arith.constant 48 : i32
      %add3A_30 = arith.addi %mul3A_11, %add3A_29 : i32
      %get3A_31 = arith.index_cast %add3A_30 : i32 to index
      %get3A_32 = tpu.vector_load %arg5[%get3A_31] {strides = array<i32>} : memref<6272xi32, #tpu.memory_space<vmem>>, vector<16xi32>,
      %gather3A_33 = tpu.vector_load_idx %arg7[%get3A_32] : memref<100xf32, #tpu.memory_space<vmem>>[vector<16xi32>], vector<16xf32>,
      %swap3A_34 = arith.index_cast %add3A_30 : i32 to index
      %swap3A_35 = tpu.vector_load %arg6[%swap3A_34] {strides = array<i32>} : memref<6272xf32, #tpu.memory_space<vmem>>, vector<16xf32>,
      tpu.vector_store %arg6[%swap3A_34], %gather3A_33 {strides = array<i32>} : memref<6272xf32, #tpu.memory_space<vmem>>, vector<16xf32>,
    }
    %scan3A_8 = arith.constant 98 : i32
    "tpu.region"() ({
      %run_scoped3A = tpu.sem_alloc : memref<!tpu.dma_semaphore, #tpu.memory_space<semaphore_mem>>
      %dma_start3A_9 = tpu.memref_slice %arg4[%min3A_1] : memref<100000xf32, #tpu.memory_space<hbm>> -> memref<6272xf32, #tpu.memory_space<hbm>>
      %dma_start3A_10 = tpu.memref_slice %arg4[%min3A_1] : memref<100000xf32, #tpu.memory_space<hbm>> -> memref<6272xf32, #tpu.memory_space<hbm>>
      tpu.enqueue_dma source(%arg6 : memref<6272xf32, #tpu.memory_space<vmem>>) target(%dma_start3A_10 : memref<6272xf32, #tpu.memory_space<hbm>>) target_semaphore(%run_scoped3A : memref<!tpu.dma_semaphore, #tpu.memory_space<semaphore_mem>>)
      %dma_wait3A_11 = tpu.memref_slice %arg4[%min3A_1] : memref<100000xf32, #tpu.memory_space<hbm>> -> memref<6272xf32, #tpu.memory_space<hbm>>
      %dma_wait3A_12 = tpu.memref_slice %arg4[%min3A_1] : memref<100000xf32, #tpu.memory_space<hbm>> -> memref<6272xf32, #tpu.memory_space<hbm>>
      tpu.wait_dma2 semaphore(%run_scoped3A : memref<!tpu.dma_semaphore, #tpu.memory_space<semaphore_mem>>) src(%arg6 : memref<6272xf32, #tpu.memory_space<vmem>>) dst(%dma_wait3A_12 : memref<6272xf32, #tpu.memory_space<hbm>>)
      tpu.yield
    }) : () -> ()
    return
  }
}

module attributes {stable_mosaic.version = 14 : i64} {
  func.func @_mlp_body(%arg0: memref<100x128xf32, #tpu.memory_space<vmem>>, %arg1: memref<128x64xf32, #tpu.memory_space<vmem>>, %arg2: memref<1x64xf32, #tpu.memory_space<vmem>>, %arg3: memref<1x64xf32, #tpu.memory_space<vmem>>, %arg4: memref<1x1xf32, #tpu.memory_space<vmem>>, %arg5: memref<1x100xf32, #tpu.memory_space<vmem>>) attributes {dimension_semantics = [], scalar_prefetch = 0 : i64, scratch_operands = 0 : i64, tpu.core_type = #tpu.core_type<tc>} {
    %get3A = arith.constant 0 : index
    %get3A_0 = arith.constant 0 : index
    %get3A_1 = vector.load %arg0[%get3A, %get3A_0] : memref<100x128xf32, #tpu.memory_space<vmem>>, vector<100x128xf32>
    %get3A_2 = arith.constant 0 : index
    %get3A_3 = arith.constant 0 : index
    %get3A_4 = vector.load %arg1[%get3A_2, %get3A_3] : memref<128x64xf32, #tpu.memory_space<vmem>>, vector<128x64xf32>
    %dot_general3A = arith.constant dense<0.000000e+00> : vector<100x64xf32>
    %dot_general3A_5 = tpu.matmul %get3A_1, %get3A_4, %dot_general3A {dimension_numbers = #tpu.dot_dimension_numbers<[1], [0], [0], [1], [0, 0, 1, 1], [], []>, transpose_lhs_hint = false} : vector<100x128xf32>, vector<128x64xf32>, vector<100x64xf32> -> vector<100x64xf32>
    %get3A_6 = arith.constant 0 : index
    %get3A_7 = arith.constant 0 : index
    %get3A_8 = vector.load %arg2[%get3A_6, %get3A_7] : memref<1x64xf32, #tpu.memory_space<vmem>>, vector<1x64xf32>
    %add3A = vector.broadcast %get3A_8 : vector<1x64xf32> to vector<100x64xf32>
    %add3A_9 = arith.addf %dot_general3A_5, %add3A : vector<100x64xf32>
    %logistic3A = arith.negf %add3A_9 : vector<100x64xf32>
    %logistic3A_10 = math.exp %logistic3A : vector<100x64xf32>
    %logistic3A_11 = arith.constant 1.000000e+00 : f32
    %logistic3A_12 = vector.broadcast %logistic3A_11 : f32 to vector<100x64xf32>
    %logistic3A_13 = arith.addf %logistic3A_12, %logistic3A_10 : vector<100x64xf32>
    %logistic3A_14 = arith.divf %logistic3A_12, %logistic3A_13 : vector<100x64xf32>
    %mul3A = arith.mulf %add3A_9, %logistic3A_14 : vector<100x64xf32>
    %get3A_15 = arith.constant 0 : index
    %get3A_16 = arith.constant 0 : index
    %get3A_17 = vector.load %arg3[%get3A_15, %get3A_16] : memref<1x64xf32, #tpu.memory_space<vmem>>, vector<1x64xf32>
    %dot_general3A_18 = arith.constant dense<0.000000e+00> : vector<1x100xf32>
    %dot_general3A_19 = tpu.matmul %get3A_17, %mul3A, %dot_general3A_18 {dimension_numbers = #tpu.dot_dimension_numbers<[1], [1], [0], [0], [0, 0, 1, 0], [], []>, transpose_lhs_hint = false} : vector<1x64xf32>, vector<100x64xf32>, vector<1x100xf32> -> vector<1x100xf32>
    %get3A_20 = arith.constant 0 : index
    %get3A_21 = arith.constant 0 : index
    %get3A_22 = vector.load %arg4[%get3A_20, %get3A_21] : memref<1x1xf32, #tpu.memory_space<vmem>>, vector<1x1xf32>
    %get3A_23 = vector.extract %get3A_22[0, 0] : f32 from vector<1x1xf32>
    %add3A_24 = vector.broadcast %get3A_23 : f32 to vector<1x100xf32>
    %add3A_25 = arith.addf %dot_general3A_19, %add3A_24 : vector<1x100xf32>
    %swap3A = arith.constant 0 : index
    %swap3A_26 = arith.constant 0 : index
    %swap3A_27 = vector.load %arg5[%swap3A, %swap3A_26] : memref<1x100xf32, #tpu.memory_space<vmem>>, vector<1x100xf32>
    tpu.vector_store %arg5[%swap3A, %swap3A_26], %add3A_25 {strides = array<i32>} : memref<1x100xf32, #tpu.memory_space<vmem>>, vector<1x100xf32>,
    return
  }
}

</mosaic_0001>

<sc_bundles>
// kernel: kernel.4.cloned.1.call-start
scs
__scs_entry_jumppad:
0x0: {  	(pc) =	sbr.rel $0x88, $3  }
0x1: {  	(tag) =	ssettag $0x0;
	lr =	simm.s32 $0x1  }
0x2: {  	[smem:$0x3F9B] =	sst lr;
	_ =	strace $0xD0000000  }
0x3: {  	_ = 	snop  }
0x4: {  	_ = 	snop  }
0x5: {  	_ = 	snop  }
0x6: {  	_ = 	snop  }
0x7: {  	_ = 	snop  }
__scs_overlays_trampoline_lowered:
0x8: {  	[smem:$0x3FAA] =	sst s0  }
0x9: {  	[smem:$0x3FAB] =	sst s1  }
0xa: {  	[smem:$0x3FAC] =	sst s2  }
0xb: {  	[smem:$0x3FAD] =	sst s3  }
0xc: {  	[smem:$0x3FAE] =	sst s4  }
0xd: {  	[smem:$0x3FAF] =	sst s5  }
0xe: {  	[smem:$0x3FB0] =	sst s6  }
0xf: {  	[smem:$0x3FB1] =	sst s7  }
0x10: {  	[smem:$0x3FB2] =	sst s8  }
0x11: {  	[smem:$0x3FB3] =	sst s9;
	s0 =	simm.s32 @!p0 $0x0  }
0x12: {  	s1 =	sld [smem:$0x3F99];
	s0 =	simm.s32 @p0 $0x1  }
0x13: {  	[smem:$0x3FB4] =	sst s0;
	s0 =	simm.s32 @!p1 $0x0  }
0x14: {  	s2 =	sld [smem:$0x3F98];
	s0 =	simm.s32 @p1 $0x1  }
0x15: {  	[smem:$0x3FB5] =	sst s0;
	s0 =	simm.s32 @!p2 $0x0  }
0x16: {  	s3 =	sld [smem:$0x3FDB];
	s0 =	simm.s32 @p2 $0x1  }
0x17: {  	s4 =	simm.s32 $0x1BF5;
	[smem:$0x3FB7] =	sst s0  }
0x18: {  	s0 =	sld [smem:$0x3F9A];
	_ =	swait.ge [sflag:s4], $0x0  }
0x19: {  	s7 =	sld [smem:$0x3F9B]  }
0x1a: {  	s8 =	sadd.s32 $0xFFFFE003, lr  }
0x1b: {  	s9 =	sadd.s32 $0xFFFFFEF7, lr;
	s5 =	simm.s32 $0xFFFFFFFF;
	p2 =	slt.u32 s8, $0xFFFFF086  }
0x1c: {  	p1 =	slt.u32 s9, $0xF7A;
	s5 =	simm.s32 @!p2 $0x0  }
0x1d: {  	s5 =	simm.s32 @p1 $0x1;
	p0 =	seq.s32 s7, s2  }
0x1e: {  	s7 =	smul.u32 @!p0 $0xF7A, s2;
	p2 =	seq.s32 @!p0 s5, $0x0  }
0x1f: {  	s9 =	smul.u32 $0xF7A, s1;
	s8 =	simm.s32 @!p0 $0x1BF5;
	p2 =	por !p2, p0  }
0x20: {  	[sflag:s8] =	ssyncset.s32 @!p0 $0xFFFFF086;
	s6 =	sadd.s32 @!p0 s3, s7;
	s7 =	simm.s32 @!p0 $0x108  }
0x21: {  	s3 =	sadd.s32 s3, s9;
	s6 =	sadd.s32 @!p0 $0x88, s6;
	s7 =	simm.s32 @p2 $0x1082  }
0x22: {  	[simem:s7], [sflag:s8] =	dma.local @!p0 [hbm:s6], $0xF7A  }
0x23: {  	s9 =	sor.u32 $0xD0000000, s2;
	s6 =	simm.s32 $0x108;
	_ =	swait.ge @!p0 [sflag:s8], $0x0  }
0x24: {  	s3 =	sadd.s32 $0x88, s3;
	s6 =	simm.s32 @!p1 $0x1082;
	[sflag:s4] =	ssyncset.s32 $0xFFFFF086  }
0x25: {  	[simem:s6], [sflag:s4] =	dma.local [hbm:s3], $0xF7A  }
0x26: {  	[smem:$0x3F9B] =	sst s1;
	(tag) =	ssettag s2;
	_ =	strace s9  }
0x27: {  	s1 =	sld [smem:$0x3FAB]  }
0x28: {  	s2 =	sld [smem:$0x3FAC]  }
0x29: {  	s4 =	sld [smem:$0x3FAE]  }
0x2a: {  	p0 =	seq.s32 s5, $0x0;
	s5 =	sld [smem:$0x3FAF]  }
0x2b: {  	s6 =	sld [smem:$0x3FB0]  }
0x2c: {  	s7 =	sld [smem:$0x3FB1]  }
0x2d: {  	s3 =	simm.s32 $0x108;
	s8 =	sld [smem:$0x3FB2]  }
0x2e: {  	s3 =	simm.s32 @!p0 $0x1082;
	s9 =	sld [smem:$0x3FB3]  }
0x2f: {  	lr =	sadd.s32 s0, s3;
	s0 =	sld [smem:$0x3FAA]  }
0x30: {  	s3 =	sld [smem:$0x3FAD]  }
0x31: {  	[smem:$0x3FB6] =	sst s10  }
0x32: {  	s10 =	sld [smem:$0x3FB4];
	_ =	sdelay $0x3  }
0x33: {  	p0 =	seq.s32 s10, $0x1;
	s10 =	sld [smem:$0x3FB6];
	_ =	sdelay $0x3  }
0x34: {  	[smem:$0x3FB6] =	sst s10  }
0x35: {  	s10 =	sld [smem:$0x3FB5];
	_ =	sdelay $0x3  }
0x36: {  	p1 =	seq.s32 s10, $0x1;
	s10 =	sld [smem:$0x3FB6];
	_ =	sdelay $0x3  }
0x37: {  	[smem:$0x3FB6] =	sst s10  }
0x38: {  	s10 =	sld [smem:$0x3FB7]  }
0x39: {  	_ = 	snop;
	(pc) =	sbr.ind lr, $3  }
0x3a: {  	_ = 	snop  }
0x3b: {  	_ = 	snop  }
0x3c: {  	p2 =	seq.s32 s10, $0x1;
	s10 =	sld [smem:$0x3FB6]  }
0x3d: {  	_ =	shalt  }
0x3e: {  	_ =	shalt  }
0x3f: {  	_ =	shalt  }
0x40: {  	_ =	shalt  }
0x41: {  	_ =	shalt  }
0x42: {  	_ =	shalt  }
0x43: {  	_ =	shalt  }
0x44: {  	_ =	shalt  }
0x45: {  	_ =	shalt  }
0x46: {  	_ =	shalt  }
0x47: {  	_ =	shalt  }
0x48: {  	_ =	shalt  }
0x49: {  	_ =	shalt  }
0x4a: {  	_ =	shalt  }
0x4b: {  	_ =	shalt  }
0x4c: {  	_ =	shalt  }
0x4d: {  	_ =	shalt  }
0x4e: {  	_ =	shalt  }
0x4f: {  	_ =	shalt  }
0x50: {  	_ =	shalt  }
0x51: {  	_ =	shalt  }
0x52: {  	_ =	shalt  }
0x53: {  	_ =	shalt  }
0x54: {  	_ =	shalt  }
0x55: {  	_ =	shalt  }
0x56: {  	_ =	shalt  }
0x57: {  	_ =	shalt  }
0x58: {  	_ =	shalt  }
0x59: {  	_ =	shalt  }
0x5a: {  	_ =	shalt  }
0x5b: {  	_ =	shalt  }
0x5c: {  	_ =	shalt  }
0x5d: {  	_ =	shalt  }
0x5e: {  	_ =	shalt  }
0x5f: {  	_ =	shalt  }
0x60: {  	_ =	shalt  }
0x61: {  	_ =	shalt  }
0x62: {  	_ =	shalt  }
0x63: {  	_ =	shalt  }
0x64: {  	_ =	shalt  }
0x65: {  	_ =	shalt  }
0x66: {  	_ =	shalt  }
0x67: {  	_ =	shalt  }
0x68: {  	_ =	shalt  }
0x69: {  	_ =	shalt  }
0x6a: {  	_ =	shalt  }
0x6b: {  	_ =	shalt  }
0x6c: {  	_ =	shalt  }
0x6d: {  	_ =	shalt  }
0x6e: {  	_ =	shalt  }
0x6f: {  	_ =	shalt  }
0x70: {  	_ =	shalt  }
0x71: {  	_ =	shalt  }
0x72: {  	_ =	shalt  }
0x73: {  	_ =	shalt  }
0x74: {  	_ =	shalt  }
0x75: {  	_ =	shalt  }
0x76: {  	_ =	shalt  }
0x77: {  	_ =	shalt  }
0x78: {  	_ =	shalt  }
0x79: {  	_ =	shalt  }
0x7a: {  	_ =	shalt  }
0x7b: {  	_ =	shalt  }
0x7c: {  	_ =	shalt  }
0x7d: {  	_ =	shalt  }
0x7e: {  	_ =	shalt  }
0x7f: {  	_ =	shalt  }
0x80: {  	_ =	shalt  }
0x81: {  	_ =	shalt  }
0x82: {  	_ =	shalt  }
0x83: {  	_ =	shalt  }
0x84: {  	_ =	shalt  }
0x85: {  	_ =	shalt  }
0x86: {  	_ =	shalt  }
0x87: {  	_ =	shalt  }
.Lfunc_end0:
.L_simem_size_0:
called_computation_lowered:
.L_overlay_start_0:
0x88: {  	s0 =	sld [smem:$0x3FD9]  }
0x89: {  	s1 =	sld [smem:$0x3FFE];
	_ =	sdelay $0x3  }
0x8a: {  	s0 =	sadd.s32 s1, s0  }
0x8b: {  	[smem:$0x3FC2] =	sst s0  }
0x8c: {  	_ = 	snop  }
0x8d: {  	s0 =	sld [smem:$0x3FC9]  }
0x8e: {  	s16 =	sld [smem:$0x3FD0];
	(tm) =	ssettm $0x1  }
0x8f: {  	s2 =	sld [smem:$0x3FFB];
	_ =	sdelay $0x3  }
0x90: {  	_ =	strace s2  }
0x91: {  	s2 =	sld [smem:$0x3FFC];
	_ =	sdelay $0x3  }
0x92: {  	_ =	strace s2  }
0x93: {  	s2 =	sld [smem:$0x3FFD];
	_ =	sdelay $0x3  }
0x94: {  	_ =	strace s2  }
0x95: {  	_ =	strace $0x8FFFFFFF  }
0x96: {  	s17 =	sld [smem:$0x3FDB];
	_ =	sdelay $0x1  }
0x97: {  	s3 =	simm.s32 $_scs_section_size  }
0x98: {  	s4 =	simm.s32 $_size__tile_overlayer_lowered;
	s5 =	simm.s32 $_tile_overlayer_lowered  }
0x99: {  	s20 =	simm.s32 $0x1BFF;
	s19 =	sshll.u32 s5, $0x1;
	s2 =	sadd.s32 s3, s17  }
0x9a: {  	s6 =	simm.s32 $0x0;
	s18 =	sshll.u32 s4, $0x1;
	s4 =	sadd.s32 s19, s2  }
0x9b: {  	[timem:s6], [sflag:s20] =	dma.local [hbm:s4], s18  }
0x9c: {  	_ =	swait.ge [sflag:s20], s18  }
0x9d: {  	s3 =	ssub.s32 $0x0, s18;
	[sflag:s20] =	ssyncset.done $0x0  }
0x9e: {  	[sflag:s20] =	ssyncadd.s32 s3;
	_ =	sdelay $0x1  }
0x9f: {  	s21 =	simm.s32 $0x1B8B  }
0xa0: {  	_ =	swait.ge [sflag:s21], $0x1  }
0xa1: {  	[sflag:s21] =	ssyncset.done $0x0  }
0xa2: {  	s23 =	simm.s32 $0x1B8E;
	s22 =	sld [smem:$0x3FFE];
	[sflag:s21] =	ssyncadd.s32 $0xFFFFFFFF  }
0xa3: {  	s24 =	simm.s32 $execute0_lowered;
	[smem:$0x3FD2] =	sst s23  }
0xa4: {  	s4 =	sshll.u32 s24, $0x1;
	_ =	strace $0x80000046;
	[dreg:$0x1] =	wrdreg $0xFFFFFFFF  }
0xa5: {  	s25 =	simm.s32 $_size_execute0_lowered;
	s2 =	sadd.s32 s2, s4;
	[dreg:$0x0] =	wrdreg $0x0  }
0xa6: {  	s4 =	sshll.u32 s25, $0x1;
	[dreg:$0x2] =	wrdreg s2  }
0xa7: {  	[dreg:$0x3] =	wrdreg s4  }
0xa8: {  	[dreg:$0x4] =	wrdreg $0xC0  }
0xa9: {  	_ =	task [dreg:s6], $0x5FFFF  }
0xaa: {  	[dreg:$0x1] =	wrdreg $0xFFFFFFFF  }
0xab: {  	[dreg:$0x0] =	wrdreg $0x60  }
0xac: {  	[dreg:$0x2] =	wrdreg s0  }
0xad: {  	[dreg:$0x3] =	wrdreg s16  }
0xae: {  	[dreg:$0x4] =	wrdreg s22  }
0xaf: {  	[dreg:$0x5] =	wrdreg $0x9  }
0xb0: {  	_ =	task.clear_ibuf [dreg:s6], $0x6FFFF;
	_ =	strace $0x90000046  }
0xb1: {  	s26 =	simm.s32 $0x9;
	_ =	strace $0x80000048  }
0xb2: {  	_ =	swait.ge [sflag:s26], $0x1  }
0xb3: {  	[sflag:s26] =	ssyncadd.s32 $0xFFFFFFFF  }
0xb4: {  	_ =	strace $0x90000048  }
0xb5: {  	_ =	sfence  }
0xb6: {  	s28 =	sld [smem:$0x0];
	_ =	sdelay $0x1  }
0xb7: {  	s29 =	srdreg.scid  }
0xb8: {  	s30 =	sshll.u32 s29, $0xD;
	s31 =	sshrl.u32 s29, $0x2  }
0xb9: {  	s1 =	sand.u32 $0x1, s29;
	s2 =	sand.u32 $0x4000, s30;
	s0 =	sadd.s32 s31, s28  }
0xba: {  	s1 =	sor.u32 s2, s1;
	s0 =	sshll.u32 s0, $0x11  }
0xbb: {  	s0 =	sor.u32 s0, s1  }
0xbc: {  	s0 =	sadd.s32 $0x8F2B, s0  }
0xbd: {  	[sflag:s0] =	ssyncadd.remote.s32 $0x1  }
0xbe: {  	_ =	sfence.sel $0xFFFF  }
0xbf: {  	[dreg:$0x0] =	wrdreg $0xFFFFFFFF;
	(pc) =	sbr.abs _section_cstart, $3  }
0xc0: {  	[dreg:$0x1] =	wrdreg $0xFFFFFFFF  }
0xc1: {  	_ =	task.clear_ibuf [dreg:s6], $0x2FFFF;
	_ =	strace $0x9FFFFFFF  }
0xc2: {  	(tm) =	ssettm $0x7FFFFFFF  }
0xc3: {  	_ =	shalt  }
tec
execute0_lowered:
.L_overlay_start_1:
0x0: {  	(tag) =	ssettag $0x1  }
0x1: {  	s0 =	stileid.u32  }
0x2: {  	s3 =	rddreg [dreg:$0x0];
	s2 =	smul.u32 $0x1880, s0  }
0x3: {  	s4 =	rddreg [dreg:$0x1]  }
0x4: {  	s6 =	rddreg [dreg:$0x2];
	s5 =	simm.s32 $0x0;
	s2 =	smin.u32 s2, $0x16E20  }
0x5: {  	[smem:$0x7FF] =	sst s5;
	s2 =	sshrl.u32 s2, $0x3  }
0x6: {  	s1 =	rddreg [dreg:$0x3];
	_ =	strace $0x80000047;
	s3 =	sadd.s32 s3, s2  }
0x7: {  	[tilespmem:s5], [sflag:$0x1] =	stream.linear.gather [hbm4b:s3+s5], $0x1880, $0x38;
	[tilespmem:$0x3180] =	vst v63  }
0x8: {  	s30 =	simm.s32 $0x2;
	s3 =	simm.s32 $0x3100  }
0x9: {  	[tilespmem:s3], [sflag:$0x2] =	stream.linear.gather [hbm4b:s4+s5], $0x80, $0x38;
	[tilespmem:$0x3180] =	vst v63  }
0xa: {  	_ =	swait.ge [sflag:s30], $0x80  }
0xb: {  	[sflag:s30] =	ssyncset.done $0x0  }
0xc: {  	s31 =	simm.s32 $0x1;
	[sflag:s30] =	ssyncadd.s32 $0xFFFFFF80  }
0xd: {  	_ =	swait.ge [sflag:s31], $0x1880  }
0xe: {  	[sflag:s31] =	ssyncset.done $0x0  }
0xf: {  	s5 =	simm.s32 $0x0;
	[sflag:s31] =	ssyncadd.s32 $0xFFFFE780  }
0x10: {  	v0 =	vld [tilespmem:s5+$0x0];
	_ =	sdelay $0x5  }
0x11: {  	v1 =	vld [tilespmem:s5+$0x10];
	_ =	sdelay $0x1  }
0x12: {  	v0 =	vld.idx.msk [tilespmem:v0+s3+$0x0], $0xffff;
	_ =	sdelay $0x4  }
0x13: {  	v2 =	vld [tilespmem:s5+$0x20];
	[tilespmem:s5+$0x1880] =	vst v0  }
0x14: {  	v0 =	vld.idx.msk [tilespmem:v1+s3+$0x0], $0xffff;
	_ =	sdelay $0x4  }
0x15: {  	[tilespmem:s5+$0x1890] =	vst v0;
	v0 =	vld [tilespmem:s5+$0x30];
	_ =	sdelay $0x1  }
0x16: {  	v1 =	vld.idx.msk [tilespmem:v2+s3+$0x0], $0xffff;
	_ =	sdelay $0x3  }
0x17: {  	s7 =	simm.s32 $0x40;
	s4 =	sadd.s32 $0xC00, s6;
	s6 =	simm.s32 $0x200  }
.LBB2_1:
0x18: {  	p0 =	sne.s32 s6, $0x6100;
	v2 =	vld [tilespmem:s7+$0x0];
	[tilespmem:s5+$0x18A0] =	vst v1  }
0x19: {  	v0 =	vld.idx.msk [tilespmem:v0+s3+$0x0], $0xffff;
	_ =	sdelay $0x5  }
0x1a: {  	v1 =	vld [tilespmem:s7+$0x10];
	[tilespmem:s5+$0x18B0] =	vst v0;
	s5 =	smov.u32 s7  }
0x1b: {  	v0 =	vld.idx.msk [tilespmem:v2+s3+$0x0], $0xffff;
	_ =	sdelay $0x5  }
0x1c: {  	[tilespmem:s5+$0x1880] =	vst v0;
	v2 =	vld [tilespmem:s5+$0x20]  }
0x1d: {  	v0 =	vld.idx.msk [tilespmem:v1+s3+$0x0], $0xffff;
	_ =	sdelay $0x5  }
0x1e: {  	[tilespmem:s5+$0x1890] =	vst v0;
	v0 =	vld [tilespmem:s5+$0x30]  }
0x1f: {  	v1 =	vld.idx.msk [tilespmem:v2+s3+$0x0], $0xffff  }
.Ltmp0:
0x20: {  	(pc) =	sbr.rel @p0 .LBB2_1-.Ltmp0, $2  }
0x21: {  	_ =	sdelay $0x2  }
0x22: {  	s7 =	sshra.s32 s6, $0x2;
	s6 =	sadd.s32 $0x100, s6  }
0x23: {  	_ =	sdelay $0x1  }
0x24: {  	v2 =	vld [tilespmem:s7+$0x0]  }
0x25: {  	[tilespmem:s5+$0x18A0] =	vst v1  }
0x26: {  	v0 =	vld.idx.msk [tilespmem:v0+s3+$0x0], $0xffff;
	_ =	sdelay $0x3  }
0x27: {  	v1 =	vld [tilespmem:s7+$0x10]  }
0x28: {  	[tilespmem:s5+$0x18B0] =	vst v0  }
0x29: {  	v0 =	vld.idx.msk [tilespmem:v2+s3+$0x0], $0xffff;
	_ =	sdelay $0x3  }
0x2a: {  	v62 =	vld [tilespmem:s7+$0x20]  }
0x2b: {  	[tilespmem:s7+$0x1880] =	vst v0  }
0x2c: {  	v1 =	vld.idx.msk [tilespmem:v1+s3+$0x0], $0xffff;
	_ =	sdelay $0x3  }
0x2d: {  	v63 =	vld [tilespmem:s7+$0x30]  }
0x2e: {  	[tilespmem:s7+$0x1890] =	vst v1  }
0x2f: {  	v0 =	vld.idx.msk [tilespmem:v62+s3+$0x0], $0xffff;
	_ =	sdelay $0x4  }
0x30: {  	[tilespmem:s7+$0x18A0] =	vst v0  }
0x31: {  	v0 =	vld.idx.msk [tilespmem:v63+s3+$0x0], $0xffff;
	_ =	sdelay $0x3  }
0x32: {  	s2 =	sadd.s32 s4, s2  }
0x33: {  	s29 =	simm.s32 $0x0;
	s30 =	simm.s32 $0x1880;
	s31 =	simm.s32 $0x2;
	[tilespmem:s7+$0x18B0] =	vst v0  }
0x34: {  	[hbm4b:s2+s29] =	stream.linear.scatter [tilespmem:s30], [sflag:$0x2], $0x1880, $0x38;
	[tilespmem:$0x3180] =	vst v63  }
0x35: {  	_ =	swait.ge [sflag:s31], $0x1880  }
0x36: {  	[sflag:s31] =	ssyncset.done $0x0  }
0x37: {  	[sflag:s31] =	ssyncadd.s32 $0xFFFFE780  }
0x38: {  	_ =	sfence.sel $0x180000  }
0x39: {  	[bflag:$0x0] =	sbarrier.arrive $0xFFFF  }
0x3a: {  	p0 =	sne.s32 s0, $0x0;
	_ =	strace $0x90000047  }
0x3b: {  	s0 =	sadd.s32 @!p0 $0x100000, s1;
	[bflag:$0x2] =	sbarrier.arrive $0xFFFF  }
0x3c: {  	[sflag:s0] =	ssyncadd.tile.s32 @!p0 $0x1;
	_ =	shalt  }
.Lfunc_end2:
_tile_overlayer_lowered:
.L_overlay_start_2:
0x3d: {  	(tag) =	ssettag $0x2  }
0x3e: {  	s0 =	rddreg [dreg:$0x0];
	s2 =	stileid.u32  }
0x3f: {  	s1 =	rddreg [dreg:$0x1];
	p0 =	sne.s32 s2, $0x0  }
0x40: {  	s3 =	rddreg [dreg:$0x2];
	[bflag:$0x3] =	sbarrier.arrive $0xFFFF;
	s2 =	simm.s32 @!p0 $0x1C02  }
0x41: {  	[timem:s3], [sflag:s2] =	dma.local @!p0 [hbm:s0], s1  }
0x42: {  	s0 =	simm.s32 @!p0 $0x2  }
0x43: {  	_ =	swait.ge @!p0 [sflag:s0], s1  }
0x44: {  	s1 =	ssub.s32 @!p0 $0x0, s1;
	[sflag:s0] =	ssyncset.done @!p0 $0x0  }
0x45: {  	[sflag:s0] =	ssyncadd.s32 @!p0 s1  }
0x46: {  	[bflag:$0x3] =	sbarrier.arrive $0xFFFF  }
0x47: {  	_ =	shalt  }

</sc_bundles>
